<compile_context>
chip_gen: v7x
topology: tpu7x:2x2x1
jax: 0.10.2.dev20260603
libtpu: 0.0.44.dev20260713+nightly
codegen_flags: <defaults>
</compile_context>

<pallas_src>
import functools

import jax
import jax.numpy as jnp
from jax import lax
from jax.experimental import pallas as pl
from jax.experimental.pallas import tpu as pltpu
from jax.experimental.pallas import tpu_sc as plsc

TABLE_ROWS = 8192
TABLE_COLS = 8192
N_LOOKUPS = 1048576

NC = 2
NS = 16
NW = NC * NS
L = 16

N_PER_W = N_LOOKUPS // NW
CHUNK = 4096
N_SUPER = N_PER_W // CHUNK
G = 512
K = CHUNK // G


def _body(idx_hbm, tab_hbm, out_hbm, idx_stage, fidx, outbuf, sem):
    wid = lax.axis_index("s") * NC + lax.axis_index("c")
    lane = lax.iota(jnp.int32, L)

    def super_chunk(s, _):
        base = wid * N_PER_W + s * CHUNK
        pltpu.sync_copy(idx_hbm.at[pl.ds(base * 2, 2 * CHUNK)], idx_stage)

        def fcomp(j, _):
            ev = lane * 2 + j * (2 * L)
            r = plsc.load_gather(idx_stage, [ev])
            c = plsc.load_gather(idx_stage, [ev + 1])
            phys = (
                ((r >> 3) << 16)
                + ((c >> 7) << 10)
                + ((r & 7) << 7)
                + (c & 127)
            )
            fidx[pl.ds(j * L, L)] = phys
            return 0

        lax.fori_loop(0, CHUNK // L, fcomp, 0)

        def fire(k, _):
            pltpu.async_copy(
                tab_hbm.at[fidx.at[pl.ds(k * G, G)]],
                outbuf.at[pl.ds(k * G, G)],
                sem,
            )
            return 0

        lax.fori_loop(0, K, fire, 0)
        pltpu.make_async_copy(tab_hbm.at[pl.ds(0, CHUNK)], outbuf, sem).wait()

        pltpu.sync_copy(outbuf, out_hbm.at[pl.ds(base, CHUNK)])
        return 0

    lax.fori_loop(0, N_SUPER, super_chunk, 0)


@jax.jit
def _run(indices, train_table):
    idx_flat = indices.reshape(2 * N_LOOKUPS)
    tab_lin = (
        train_table.reshape(1024, 8, 64, 128)
        .transpose(0, 2, 1, 3)
        .reshape(TABLE_ROWS * TABLE_COLS)
    )
    mesh = plsc.VectorSubcoreMesh(core_axis_name="c", subcore_axis_name="s")
    f = functools.partial(
        pl.kernel,
        mesh=mesh,
        out_type=jax.ShapeDtypeStruct((N_LOOKUPS,), jnp.float32),
        scratch_types=[
            pltpu.VMEM((2 * CHUNK,), jnp.int32),
            pltpu.VMEM((CHUNK,), jnp.int32),
            pltpu.VMEM((CHUNK,), jnp.float32),
            pltpu.SemaphoreType.DMA,
        ],
        compiler_params=pltpu.CompilerParams(needs_layout_passes=False),
    )(_body)
    return f(idx_flat, tab_lin)


def kernel(indices, train_table):
    return _run(indices.astype(jnp.int32), train_table)

# --- scband reference (transcript-rebuilt; emitter-appended) ---
"""Pipeline reference for scband-ltfreq-43293270343768 (READ-ONLY COPY).

The authoritative reference and input builder live on the scoring server;
editing this copy changes nothing except your own understanding.
"""

import jax, jax.numpy as jnp
import numpy as np

TABLE_ROWS = 8192
TABLE_COLS = 8192
N_LOOKUPS = 1048576


def setup_inputs(seed: int = 0) -> dict:
    key = jax.random.key(seed)
    k_tab, k_idx = jax.random.split(key, 2)
    train_table = jax.random.normal(k_tab, (TABLE_ROWS, TABLE_COLS), dtype=jnp.float32)
    indices = jax.random.randint(k_idx, (N_LOOKUPS, 2), 0, TABLE_ROWS, dtype=jnp.int64) if jax.config.jax_enable_x64 else jax.random.randint(k_idx, (N_LOOKUPS, 2), 0, TABLE_ROWS, dtype=jnp.int32)
    return {"indices": indices, "train_table": train_table}


def reference(indices, train_table):
    # Faithful translation of LTFreq.forward: 2-D advanced-index gather
    # x = train_table[indices[:, 0], indices[:, 1]]
    x = train_table[indices[:, 0], indices[:, 1]]
    return x

if __name__ == "__main__":
    import jax
    _d = setup_inputs()
    print(jax.jit(kernel)(*tuple(_d.values())))

</pallas_src>

<mosaic_0001>
#map = affine_map<(d0, d1) -> (0)>
module attributes {stable_mosaic.version = 14 : i64} {
  func.func @_body(%arg0: i32, %arg1: i32, %arg2: memref<2097152xi32, #tpu.memory_space<hbm>>, %arg3: memref<67108864xf32, #tpu.memory_space<hbm>>, %arg4: memref<1048576xf32, #tpu.memory_space<hbm>>, %arg5: memref<8192xi32, #tpu.memory_space<vmem>>, %arg6: memref<4096xi32, #tpu.memory_space<vmem>>, %arg7: memref<4096xf32, #tpu.memory_space<vmem>>, %arg8: memref<!tpu.dma_semaphore, #tpu.memory_space<semaphore_mem>>) attributes {dimension_semantics = [#tpu.dimension_semantics<core_parallel>, #tpu.dimension_semantics<subcore_parallel>], iteration_bounds = array<i64: 2, 16>, scalar_prefetch = 0 : i64, scratch_operands = 4 : i64, tpu.core_type = #tpu.core_type<sc_vector_subcore>, window_params = [{transform_indices = #map}, {transform_indices = #map}, {transform_indices = #map}]} {
    %mul3A = arith.constant 2 : i32
    %mul3A_0 = arith.muli %arg1, %mul3A : i32
    %add3A = arith.addi %mul3A_0, %arg0 : i32
    %iota3A = tpu.iota {dimensions = array<i32: 0>} : vector<16xi32>
    %scan3A = arith.constant 0 : i32
    %scan3A_1 = arith.constant 0 : i32
    %scan3A_2 = arith.constant 8 : i32
    %scan3A_3 = arith.addi %scan3A_1, %scan3A_2 : i32
    %scan3A_4 = arith.constant 1 : i32
    %scan3A_5 = scf.for %scan3A_7 = %scan3A_1 to %scan3A_3 step %scan3A_4 iter_args(%scan3A_8 = %scan3A) -> (i32)  : i32 {
      %mul3A_9 = arith.constant 32768 : i32
      %mul3A_10 = arith.muli %add3A, %mul3A_9 : i32
      %mul3A_11 = arith.constant 4096 : i32
      %mul3A_12 = arith.muli %scan3A_7, %mul3A_11 : i32
      %add3A_13 = arith.addi %mul3A_10, %mul3A_12 : i32
      %mul3A_14 = arith.constant 2 : i32
      %mul3A_15 = arith.muli %add3A_13, %mul3A_14 : i32
      "tpu.region"() ({
        %run_scoped3A = tpu.sem_alloc : memref<!tpu.dma_semaphore, #tpu.memory_space<semaphore_mem>>
        %dma_start3A = tpu.memref_slice %arg2[%mul3A_15] : memref<2097152xi32, #tpu.memory_space<hbm>> -> memref<8192xi32, #tpu.memory_space<hbm>>
        %dma_start3A_34 = tpu.memref_slice %arg2[%mul3A_15] : memref<2097152xi32, #tpu.memory_space<hbm>> -> memref<8192xi32, #tpu.memory_space<hbm>>
        tpu.enqueue_dma source(%dma_start3A_34 : memref<8192xi32, #tpu.memory_space<hbm>>) target(%arg5 : memref<8192xi32, #tpu.memory_space<vmem>>) target_semaphore(%run_scoped3A : memref<!tpu.dma_semaphore, #tpu.memory_space<semaphore_mem>>)
        %dma_wait3A_35 = tpu.memref_slice %arg2[%mul3A_15] : memref<2097152xi32, #tpu.memory_space<hbm>> -> memref<8192xi32, #tpu.memory_space<hbm>>
        %dma_wait3A_36 = tpu.memref_slice %arg2[%mul3A_15] : memref<2097152xi32, #tpu.memory_space<hbm>> -> memref<8192xi32, #tpu.memory_space<hbm>>
        tpu.wait_dma2 semaphore(%run_scoped3A : memref<!tpu.dma_semaphore, #tpu.memory_space<semaphore_mem>>) src(%dma_wait3A_36 : memref<8192xi32, #tpu.memory_space<hbm>>) dst(%arg5 : memref<8192xi32, #tpu.memory_space<vmem>>)
        tpu.yield
      }) : () -> ()
      %scan3A_16 = arith.constant 0 : i32
      %scan3A_17 = arith.constant 0 : i32
      %scan3A_18 = arith.constant 256 : i32
      %scan3A_19 = arith.addi %scan3A_17, %scan3A_18 : i32
      %scan3A_20 = arith.constant 1 : i32
      %scan3A_21 = scf.for %scan3A_34 = %scan3A_17 to %scan3A_19 step %scan3A_20 iter_args(%scan3A_35 = %scan3A_16) -> (i32)  : i32 {
        %mul3A_36 = arith.constant 2 : i32
        %mul3A_37 = vector.broadcast %mul3A_36 : i32 to vector<16xi32>
        %mul3A_38 = arith.muli %iota3A, %mul3A_37 : vector<16xi32>
        %mul3A_39 = arith.constant 32 : i32
        %mul3A_40 = arith.muli %scan3A_34, %mul3A_39 : i32
        %add3A_41 = vector.broadcast %mul3A_40 : i32 to vector<16xi32>
        %add3A_42 = arith.addi %mul3A_38, %add3A_41 : vector<16xi32>
        %gather3A = tpu.vector_load_idx %arg5[%add3A_42] : memref<8192xi32, #tpu.memory_space<vmem>>[vector<16xi32>], vector<16xi32>,
        %add3A_43 = arith.constant 1 : i32
        %add3A_44 = vector.broadcast %add3A_43 : i32 to vector<16xi32>
        %add3A_45 = arith.addi %add3A_42, %add3A_44 : vector<16xi32>
        %gather3A_46 = tpu.vector_load_idx %arg5[%add3A_45] : memref<8192xi32, #tpu.memory_space<vmem>>[vector<16xi32>], vector<16xi32>,
        %shift_right_arithmetic3A = arith.constant 3 : i32
        %shift_right_arithmetic3A_47 = vector.broadcast %shift_right_arithmetic3A : i32 to vector<16xi32>
        %shift_right_arithmetic3A_48 = arith.shrsi %gather3A, %shift_right_arithmetic3A_47 : vector<16xi32>
        %shift_left3A = arith.constant 16 : i32
        %shift_left3A_49 = vector.broadcast %shift_left3A : i32 to vector<16xi32>
        %shift_left3A_50 = arith.shli %shift_right_arithmetic3A_48, %shift_left3A_49 : vector<16xi32>
        %shift_right_arithmetic3A_51 = arith.constant 7 : i32
        %shift_right_arithmetic3A_52 = vector.broadcast %shift_right_arithmetic3A_51 : i32 to vector<16xi32>
        %shift_right_arithmetic3A_53 = arith.shrsi %gather3A_46, %shift_right_arithmetic3A_52 : vector<16xi32>
        %shift_left3A_54 = arith.constant 10 : i32
        %shift_left3A_55 = vector.broadcast %shift_left3A_54 : i32 to vector<16xi32>
        %shift_left3A_56 = arith.shli %shift_right_arithmetic3A_53, %shift_left3A_55 : vector<16xi32>
        %add3A_57 = arith.addi %shift_left3A_50, %shift_left3A_56 : vector<16xi32>
        %and3A = arith.constant 7 : i32
        %and3A_58 = vector.broadcast %and3A : i32 to vector<16xi32>
        %and3A_59 = arith.andi %gather3A, %and3A_58 : vector<16xi32>
        %shift_left3A_60 = arith.constant 7 : i32
        %shift_left3A_61 = vector.broadcast %shift_left3A_60 : i32 to vector<16xi32>
        %shift_left3A_62 = arith.shli %and3A_59, %shift_left3A_61 : vector<16xi32>
        %add3A_63 = arith.addi %add3A_57, %shift_left3A_62 : vector<16xi32>
        %and3A_64 = arith.constant 127 : i32
        %and3A_65 = vector.broadcast %and3A_64 : i32 to vector<16xi32>
        %and3A_66 = arith.andi %gather3A_46, %and3A_65 : vector<16xi32>
        %add3A_67 = arith.addi %add3A_63, %and3A_66 : vector<16xi32>
        %mul3A_68 = arith.constant 16 : i32
        %mul3A_69 = arith.muli %scan3A_34, %mul3A_68 : i32
        %swap3A = arith.index_cast %mul3A_69 : i32 to index
        %swap3A_70 = tpu.vector_load %arg6[%swap3A] {strides = array<i32>} : memref<4096xi32, #tpu.memory_space<vmem>>, vector<16xi32>,
        tpu.vector_store %arg6[%swap3A], %add3A_67 {strides = array<i32>} : memref<4096xi32, #tpu.memory_space<vmem>>, vector<16xi32>,
        %scan3A_71 = arith.constant 0 : i32
        scf.yield %scan3A_71 : i32
      }
      %scan3A_22 = arith.constant 256 : i32
      %scan3A_23 = arith.constant 0 : i32
      %scan3A_24 = arith.constant 0 : i32
      %scan3A_25 = arith.constant 8 : i32
      %scan3A_26 = arith.addi %scan3A_24, %scan3A_25 : i32
      %scan3A_27 = arith.constant 1 : i32
      %scan3A_28 = scf.for %scan3A_34 = %scan3A_24 to %scan3A_26 step %scan3A_27 iter_args(%scan3A_35 = %scan3A_23) -> (i32)  : i32 {
        %mul3A_36 = arith.constant 512 : i32
        %mul3A_37 = arith.muli %scan3A_34, %mul3A_36 : i32
        %mul3A_38 = arith.constant 512 : i32
        %mul3A_39 = arith.muli %scan3A_34, %mul3A_38 : i32
        %dma_start3A = tpu.memref_slice %arg7[%mul3A_39] : memref<4096xf32, #tpu.memory_space<vmem>> -> memref<512xf32, #tpu.memory_space<vmem>>
        %dma_start3A_40 = tpu.memref_slice %arg6[%mul3A_37] : memref<4096xi32, #tpu.memory_space<vmem>> -> memref<512xi32, #tpu.memory_space<vmem>>
        %dma_start3A_41 = arith.constant 0 : i32
        %dma_start3A_42 = tpu.memref_slice %arg3[%dma_start3A_41] : memref<67108864xf32, #tpu.memory_space<hbm>> -> memref<67108864xf32, #tpu.memory_space<hbm>>
        tpu.enqueue_indirect_dma source(%dma_start3A_42 : memref<67108864xf32, #tpu.memory_space<hbm>>) target(%dma_start3A : memref<512xf32, #tpu.memory_space<vmem>>) offsets(%dma_start3A_40 : memref<512xi32, #tpu.memory_space<vmem>>) semaphore(%arg8 : memref<!tpu.dma_semaphore, #tpu.memory_space<semaphore_mem>>)
        %scan3A_43 = arith.constant 0 : i32
        scf.yield %scan3A_43 : i32
      }
      %scan3A_29 = arith.constant 8 : i32
      %dma_wait3A = arith.constant 0 : i32
      %dma_wait3A_30 = tpu.memref_slice %arg3[%dma_wait3A] : memref<67108864xf32, #tpu.memory_space<hbm>> -> memref<4096xf32, #tpu.memory_space<hbm>>
      %dma_wait3A_31 = arith.constant 0 : i32
      %dma_wait3A_32 = tpu.memref_slice %arg3[%dma_wait3A_31] : memref<67108864xf32, #tpu.memory_space<hbm>> -> memref<4096xf32, #tpu.memory_space<hbm>>
      tpu.wait_dma2 semaphore(%arg8 : memref<!tpu.dma_semaphore, #tpu.memory_space<semaphore_mem>>) src(%dma_wait3A_32 : memref<4096xf32, #tpu.memory_space<hbm>>) dst(%arg7 : memref<4096xf32, #tpu.memory_space<vmem>>)
      "tpu.region"() ({
        %run_scoped3A = tpu.sem_alloc : memref<!tpu.dma_semaphore, #tpu.memory_space<semaphore_mem>>
        %dma_start3A = tpu.memref_slice %arg4[%add3A_13] : memref<1048576xf32, #tpu.memory_space<hbm>> -> memref<4096xf32, #tpu.memory_space<hbm>>
        %dma_start3A_34 = tpu.memref_slice %arg4[%add3A_13] : memref<1048576xf32, #tpu.memory_space<hbm>> -> memref<4096xf32, #tpu.memory_space<hbm>>
        tpu.enqueue_dma source(%arg7 : memref<4096xf32, #tpu.memory_space<vmem>>) target(%dma_start3A_34 : memref<4096xf32, #tpu.memory_space<hbm>>) target_semaphore(%run_scoped3A : memref<!tpu.dma_semaphore, #tpu.memory_space<semaphore_mem>>)
        %dma_wait3A_35 = tpu.memref_slice %arg4[%add3A_13] : memref<1048576xf32, #tpu.memory_space<hbm>> -> memref<4096xf32, #tpu.memory_space<hbm>>
        %dma_wait3A_36 = tpu.memref_slice %arg4[%add3A_13] : memref<1048576xf32, #tpu.memory_space<hbm>> -> memref<4096xf32, #tpu.memory_space<hbm>>
        tpu.wait_dma2 semaphore(%run_scoped3A : memref<!tpu.dma_semaphore, #tpu.memory_space<semaphore_mem>>) src(%arg7 : memref<4096xf32, #tpu.memory_space<vmem>>) dst(%dma_wait3A_36 : memref<4096xf32, #tpu.memory_space<hbm>>)
        tpu.yield
      }) : () -> ()
      %scan3A_33 = arith.constant 0 : i32
      scf.yield %scan3A_33 : i32
    }
    %scan3A_6 = arith.constant 8 : i32
    return
  }
}

</mosaic_0001>

<sc_bundles>
// kernel: _run.3.cloned.1.call-start
scs
__scs_entry_jumppad:
0x0: {  	(pc) =	sbr.rel $0x88, $3  }
0x1: {  	(tag) =	ssettag $0x0;
	lr =	simm.s32 $0x1  }
0x2: {  	[smem:$0x3F9F] =	sst lr;
	_ =	strace $0xD0000000  }
0x3: {  	_ = 	snop  }
0x4: {  	_ = 	snop  }
0x5: {  	_ = 	snop  }
0x6: {  	_ = 	snop  }
0x7: {  	_ = 	snop  }
__scs_overlays_trampoline_lowered:
0x8: {  	[smem:$0x3FAE] =	sst s0  }
0x9: {  	[smem:$0x3FAF] =	sst s1  }
0xa: {  	[smem:$0x3FB0] =	sst s2  }
0xb: {  	[smem:$0x3FB1] =	sst s3  }
0xc: {  	[smem:$0x3FB2] =	sst s4  }
0xd: {  	[smem:$0x3FB3] =	sst s5  }
0xe: {  	[smem:$0x3FB4] =	sst s6  }
0xf: {  	[smem:$0x3FB5] =	sst s7  }
0x10: {  	[smem:$0x3FB6] =	sst s8  }
0x11: {  	[smem:$0x3FB7] =	sst s9;
	s0 =	simm.s32 @!p0 $0x0  }
0x12: {  	s1 =	sld [smem:$0x3F9D];
	s0 =	simm.s32 @p0 $0x1  }
0x13: {  	[smem:$0x3FB8] =	sst s0;
	s0 =	simm.s32 @!p1 $0x0  }
0x14: {  	s2 =	sld [smem:$0x3F9C];
	s0 =	simm.s32 @p1 $0x1  }
0x15: {  	[smem:$0x3FB9] =	sst s0;
	s0 =	simm.s32 @!p2 $0x0  }
0x16: {  	s3 =	sld [smem:$0x3FDB];
	s0 =	simm.s32 @p2 $0x1  }
0x17: {  	s4 =	simm.s32 $0x1BF5;
	[smem:$0x3FBB] =	sst s0  }
0x18: {  	s0 =	sld [smem:$0x3F9E];
	_ =	swait.ge [sflag:s4], $0x0  }
0x19: {  	s7 =	sld [smem:$0x3F9F]  }
0x1a: {  	s8 =	sadd.s32 $0xFFFFE003, lr  }
0x1b: {  	s9 =	sadd.s32 $0xFFFFFEF7, lr;
	s5 =	simm.s32 $0xFFFFFFFF;
	p2 =	slt.u32 s8, $0xFFFFF086  }
0x1c: {  	p1 =	slt.u32 s9, $0xF7A;
	s5 =	simm.s32 @!p2 $0x0  }
0x1d: {  	s5 =	simm.s32 @p1 $0x1;
	p0 =	seq.s32 s7, s2  }
0x1e: {  	s7 =	smul.u32 @!p0 $0xF7A, s2;
	p2 =	seq.s32 @!p0 s5, $0x0  }
0x1f: {  	s9 =	smul.u32 $0xF7A, s1;
	s8 =	simm.s32 @!p0 $0x1BF5;
	p2 =	por !p2, p0  }
0x20: {  	[sflag:s8] =	ssyncset.s32 @!p0 $0xFFFFF086;
	s6 =	sadd.s32 @!p0 s3, s7;
	s7 =	simm.s32 @!p0 $0x108  }
0x21: {  	s3 =	sadd.s32 s3, s9;
	s6 =	sadd.s32 @!p0 $0x88, s6;
	s7 =	simm.s32 @p2 $0x1082  }
0x22: {  	[simem:s7], [sflag:s8] =	dma.local @!p0 [hbm:s6], $0xF7A  }
0x23: {  	s9 =	sor.u32 $0xD0000000, s2;
	s6 =	simm.s32 $0x108;
	_ =	swait.ge @!p0 [sflag:s8], $0x0  }
0x24: {  	s3 =	sadd.s32 $0x88, s3;
	s6 =	simm.s32 @!p1 $0x1082;
	[sflag:s4] =	ssyncset.s32 $0xFFFFF086  }
0x25: {  	[simem:s6], [sflag:s4] =	dma.local [hbm:s3], $0xF7A  }
0x26: {  	[smem:$0x3F9F] =	sst s1;
	(tag) =	ssettag s2;
	_ =	strace s9  }
0x27: {  	s1 =	sld [smem:$0x3FAF]  }
0x28: {  	s2 =	sld [smem:$0x3FB0]  }
0x29: {  	s4 =	sld [smem:$0x3FB2]  }
0x2a: {  	p0 =	seq.s32 s5, $0x0;
	s5 =	sld [smem:$0x3FB3]  }
0x2b: {  	s6 =	sld [smem:$0x3FB4]  }
0x2c: {  	s7 =	sld [smem:$0x3FB5]  }
0x2d: {  	s3 =	simm.s32 $0x108;
	s8 =	sld [smem:$0x3FB6]  }
0x2e: {  	s3 =	simm.s32 @!p0 $0x1082;
	s9 =	sld [smem:$0x3FB7]  }
0x2f: {  	lr =	sadd.s32 s0, s3;
	s0 =	sld [smem:$0x3FAE]  }
0x30: {  	s3 =	sld [smem:$0x3FB1]  }
0x31: {  	[smem:$0x3FBA] =	sst s10  }
0x32: {  	s10 =	sld [smem:$0x3FB8];
	_ =	sdelay $0x3  }
0x33: {  	p0 =	seq.s32 s10, $0x1;
	s10 =	sld [smem:$0x3FBA];
	_ =	sdelay $0x3  }
0x34: {  	[smem:$0x3FBA] =	sst s10  }
0x35: {  	s10 =	sld [smem:$0x3FB9];
	_ =	sdelay $0x3  }
0x36: {  	p1 =	seq.s32 s10, $0x1;
	s10 =	sld [smem:$0x3FBA];
	_ =	sdelay $0x3  }
0x37: {  	[smem:$0x3FBA] =	sst s10  }
0x38: {  	s10 =	sld [smem:$0x3FBB]  }
0x39: {  	_ = 	snop;
	(pc) =	sbr.ind lr, $3  }
0x3a: {  	_ = 	snop  }
0x3b: {  	_ = 	snop  }
0x3c: {  	p2 =	seq.s32 s10, $0x1;
	s10 =	sld [smem:$0x3FBA]  }
0x3d: {  	_ =	shalt  }
0x3e: {  	_ =	shalt  }
0x3f: {  	_ =	shalt  }
0x40: {  	_ =	shalt  }
0x41: {  	_ =	shalt  }
0x42: {  	_ =	shalt  }
0x43: {  	_ =	shalt  }
0x44: {  	_ =	shalt  }
0x45: {  	_ =	shalt  }
0x46: {  	_ =	shalt  }
0x47: {  	_ =	shalt  }
0x48: {  	_ =	shalt  }
0x49: {  	_ =	shalt  }
0x4a: {  	_ =	shalt  }
0x4b: {  	_ =	shalt  }
0x4c: {  	_ =	shalt  }
0x4d: {  	_ =	shalt  }
0x4e: {  	_ =	shalt  }
0x4f: {  	_ =	shalt  }
0x50: {  	_ =	shalt  }
0x51: {  	_ =	shalt  }
0x52: {  	_ =	shalt  }
0x53: {  	_ =	shalt  }
0x54: {  	_ =	shalt  }
0x55: {  	_ =	shalt  }
0x56: {  	_ =	shalt  }
0x57: {  	_ =	shalt  }
0x58: {  	_ =	shalt  }
0x59: {  	_ =	shalt  }
0x5a: {  	_ =	shalt  }
0x5b: {  	_ =	shalt  }
0x5c: {  	_ =	shalt  }
0x5d: {  	_ =	shalt  }
0x5e: {  	_ =	shalt  }
0x5f: {  	_ =	shalt  }
0x60: {  	_ =	shalt  }
0x61: {  	_ =	shalt  }
0x62: {  	_ =	shalt  }
0x63: {  	_ =	shalt  }
0x64: {  	_ =	shalt  }
0x65: {  	_ =	shalt  }
0x66: {  	_ =	shalt  }
0x67: {  	_ =	shalt  }
0x68: {  	_ =	shalt  }
0x69: {  	_ =	shalt  }
0x6a: {  	_ =	shalt  }
0x6b: {  	_ =	shalt  }
0x6c: {  	_ =	shalt  }
0x6d: {  	_ =	shalt  }
0x6e: {  	_ =	shalt  }
0x6f: {  	_ =	shalt  }
0x70: {  	_ =	shalt  }
0x71: {  	_ =	shalt  }
0x72: {  	_ =	shalt  }
0x73: {  	_ =	shalt  }
0x74: {  	_ =	shalt  }
0x75: {  	_ =	shalt  }
0x76: {  	_ =	shalt  }
0x77: {  	_ =	shalt  }
0x78: {  	_ =	shalt  }
0x79: {  	_ =	shalt  }
0x7a: {  	_ =	shalt  }
0x7b: {  	_ =	shalt  }
0x7c: {  	_ =	shalt  }
0x7d: {  	_ =	shalt  }
0x7e: {  	_ =	shalt  }
0x7f: {  	_ =	shalt  }
0x80: {  	_ =	shalt  }
0x81: {  	_ =	shalt  }
0x82: {  	_ =	shalt  }
0x83: {  	_ =	shalt  }
0x84: {  	_ =	shalt  }
0x85: {  	_ =	shalt  }
0x86: {  	_ =	shalt  }
0x87: {  	_ =	shalt  }
.Lfunc_end0:
.L_simem_size_0:
called_computation_lowered:
.L_overlay_start_0:
0x88: {  	s2 =	sld [smem:$0x3FD9]  }
0x89: {  	s3 =	sld [smem:$0x3FFE];
	_ =	sdelay $0x1  }
0x8a: {  	s1 =	srdreg.scid  }
0x8b: {  	s0 =	sand.u32 $0x1, s1  }
0x8c: {  	s17 =	sshll.u32 s0, $0xA;
	s2 =	sadd.s32 s3, s2  }
0x8d: {  	s2 =	sadd.s32 s2, s17  }
0x8e: {  	[smem:$0x3FC6] =	sst s2  }
0x8f: {  	_ = 	snop  }
0x90: {  	s2 =	sld [smem:$0x3FC8]  }
0x91: {  	s18 =	sld [smem:$0x3FD0];
	(tm) =	ssettm $0x1  }
0x92: {  	s4 =	sld [smem:$0x3FFB];
	_ =	sdelay $0x3  }
0x93: {  	_ =	strace s4  }
0x94: {  	s4 =	sld [smem:$0x3FFC];
	_ =	sdelay $0x3  }
0x95: {  	_ =	strace s4  }
0x96: {  	s4 =	sld [smem:$0x3FFD];
	_ =	sdelay $0x3  }
0x97: {  	_ =	strace s4  }
0x98: {  	_ =	strace $0x8FFFFFFF  }
0x99: {  	s19 =	sld [smem:$0x3FDB];
	_ =	sdelay $0x1  }
0x9a: {  	s5 =	simm.s32 $_scs_section_size  }
0x9b: {  	s6 =	simm.s32 $_size__tile_overlayer_lowered;
	s7 =	simm.s32 $_tile_overlayer_lowered  }
0x9c: {  	s22 =	simm.s32 $0x1BFF;
	s21 =	sshll.u32 s7, $0x1;
	s4 =	sadd.s32 s5, s19  }
0x9d: {  	s8 =	simm.s32 $0x0;
	s20 =	sshll.u32 s6, $0x1;
	s6 =	sadd.s32 s21, s4  }
0x9e: {  	[timem:s8], [sflag:s22] =	dma.local [hbm:s6], s20  }
0x9f: {  	_ =	swait.ge [sflag:s22], s20  }
0xa0: {  	s5 =	ssub.s32 $0x0, s20;
	[sflag:s22] =	ssyncset.done $0x0  }
0xa1: {  	[sflag:s22] =	ssyncadd.s32 s5;
	_ =	sdelay $0x1  }
0xa2: {  	s23 =	simm.s32 $0x1B8B  }
0xa3: {  	_ =	swait.ge [sflag:s23], $0x1  }
0xa4: {  	[sflag:s23] =	ssyncset.done $0x0  }
0xa5: {  	s25 =	simm.s32 $0x1B8E;
	s24 =	sld [smem:$0x3FFE];
	[sflag:s23] =	ssyncadd.s32 $0xFFFFFFFF  }
0xa6: {  	s26 =	simm.s32 $execute0_lowered;
	[smem:$0x3FD2] =	sst s25  }
0xa7: {  	s6 =	sshll.u32 s26, $0x1;
	_ =	strace $0x80000046;
	[dreg:$0x1] =	wrdreg $0xFFFFFFFF  }
0xa8: {  	s28 =	simm.s32 $_size_execute0_lowered;
	s4 =	sadd.s32 s4, s6;
	[dreg:$0x0] =	wrdreg $0x0  }
0xa9: {  	s6 =	sshll.u32 s28, $0x1;
	[dreg:$0x2] =	wrdreg s4  }
0xaa: {  	[dreg:$0x3] =	wrdreg s6  }
0xab: {  	[dreg:$0x4] =	wrdreg $0xC0  }
0xac: {  	_ =	task [dreg:s8], $0x5FFFF  }
0xad: {  	[dreg:$0x1] =	wrdreg $0xFFFFFFFF  }
0xae: {  	[dreg:$0x0] =	wrdreg $0x60  }
0xaf: {  	[dreg:$0x2] =	wrdreg s24  }
0xb0: {  	[dreg:$0x3] =	wrdreg s2  }
0xb1: {  	[dreg:$0x4] =	wrdreg s18  }
0xb2: {  	[dreg:$0x5] =	wrdreg $0x9  }
0xb3: {  	_ =	task.clear_ibuf [dreg:s8], $0x6FFFF;
	_ =	strace $0x90000046  }
0xb4: {  	s29 =	simm.s32 $0x9;
	_ =	strace $0x80000048  }
0xb5: {  	_ =	swait.ge [sflag:s29], $0x1  }
0xb6: {  	[sflag:s29] =	ssyncadd.s32 $0xFFFFFFFF  }
0xb7: {  	_ =	strace $0x90000048  }
0xb8: {  	_ =	sfence  }
0xb9: {  	s30 =	sld [smem:$0x0];
	_ =	sdelay $0x2  }
0xba: {  	s31 =	sshll.u32 s1, $0xD;
	s1 =	sshrl.u32 s1, $0x2  }
0xbb: {  	s3 =	sand.u32 $0x4000, s31;
	s1 =	sadd.s32 s1, s30  }
0xbc: {  	s0 =	sor.u32 s3, s0;
	s1 =	sshll.u32 s1, $0x11  }
0xbd: {  	s0 =	sor.u32 s1, s0  }
0xbe: {  	s0 =	sadd.s32 $0x8F2B, s0  }
0xbf: {  	[sflag:s0] =	ssyncadd.remote.s32 $0x1  }
0xc0: {  	_ =	sfence.sel $0xFFFF  }
0xc1: {  	[dreg:$0x0] =	wrdreg $0xFFFFFFFF;
	(pc) =	sbr.abs _section_cstart, $3  }
0xc2: {  	[dreg:$0x1] =	wrdreg $0xFFFFFFFF  }
0xc3: {  	_ =	task.clear_ibuf [dreg:s8], $0x2FFFF;
	_ =	strace $0x9FFFFFFF  }
0xc4: {  	(tm) =	ssettm $0x7FFFFFFF  }
0xc5: {  	_ =	shalt  }
tec
execute0_lowered:
.L_overlay_start_1:
0x0: {  	(tag) =	ssettag $0x1  }
0x1: {  	s0 =	rddreg [dreg:$0x0]  }
0x2: {  	s1 =	rddreg [dreg:$0x1]  }
0x3: {  	s2 =	rddreg [dreg:$0x2];
	s3 =	simm.s32 $0x0  }
0x4: {  	s4 =	srdreg.scid;
	s10 =	simm.s32 $0x2000;
	s11 =	simm.s32 $0x3000  }
0x5: {  	s12 =	simm.s32 $0x2200;
	s13 =	simm.s32 $0x3200;
	s14 =	simm.s32 $0x2400  }
0x6: {  	s15 =	simm.s32 $0x3400;
	s16 =	simm.s32 $0x2600;
	s17 =	simm.s32 $0x3600  }
0x7: {  	s18 =	simm.s32 $0x2800;
	s19 =	simm.s32 $0x3800;
	s20 =	simm.s32 $0x2A00  }
0x8: {  	s21 =	simm.s32 $0x3A00;
	s22 =	simm.s32 $0x2C00;
	s23 =	simm.s32 $0x3C00  }
0x9: {  	s24 =	simm.s32 $0x2E00;
	s25 =	simm.s32 $0x3E00;
	s26 =	simm.s32 $0x1  }
0xa: {  	s28 =	simm.s32 $0x0;
	[smem:$0x7FF] =	sst s3;
	s5 =	sand.u32 $0x1, s4  }
0xb: {  	v0 =	vlaneseq.u32;
	s4 =	stileid.u32;
	_ =	strace $0x80000047;
	s6 =	ssub.s32 $0x2, s5  }
0xc: {  	v0 =	vmul.u32 $0x2, v0;
	s8 =	sshll.u32 s4, $0x10;
	s9 =	sshll.u32 s5, $0xF;
	s7 =	sshrl.u32 s6, $0x1  }
0xd: {  	s5 =	sadd.s32 $0x1000400, s0;
	s31 =	ssub.s32 s6, s7;
	s6 =	sor.u32 s9, s8  }
0xe: {  	v1 =	vor.u32 $0x1, v0;
	s8 =	simm.s32 $0x2;
	s9 =	simm.s32 $0x200;
	s7 =	smax.u32 s31, $0x1  }
.LBB2_1:
0xf: {  	s29 =	simm.s32 $0x0  }
.LBB2_2:
0x10: {  	s0 =	sshll.u32 s29, $0xC  }
0x11: {  	s30 =	sadd.s32 s6, s0  }
0x12: {  	s31 =	simm.s32 $0x0;
	s0 =	sshrl.u32 s30, $0x2  }
0x13: {  	v2 =	vor.u32 s31, v1;
	s0 =	sadd.s32 s5, s0  }
0x14: {  	v3 =	vor.u32 s31, v0;
	[tilespmem:s31], [sflag:$0x2] =	stream.linear.gather [hbm4b:s0+s31], $0x2000, $0x38;
	[tilespmem:$0x4000] =	vst v63  }
0x15: {  	_ =	swait.ge [sflag:s8], $0x2000  }
0x16: {  	[sflag:s8] =	ssyncset.done $0x0  }
0x17: {  	[sflag:s8] =	ssyncadd.s32 $0xFFFFE000  }
0x18: {  	v2 =	vld.idx.msk [tilespmem:v2+s3+$0x0], $0xffff  }
0x19: {  	v3 =	vld.idx.msk [tilespmem:v3+s3+$0x0], $0xffff;
	_ =	sdelay $0x3  }
0x1a: {  	s0 =	simm.s32 $0x20  }
0x1b: {  	v4 =	vor.u32 s0, v1;
	v5 =	vshll.u32 v3, $0xD;
	v6 =	vshll.u32 v2, $0x3  }
0x1c: {  	v3 =	vshll.u32 v3, $0x7;
	v5 =	vand.u32 $0xFFFF0000, v5;
	v6 =	vand.u32 $0xFFFFFC00, v6  }
0x1d: {  	v7 =	vor.u32 s0, v0;
	v3 =	vand.u32 $0x380, v3;
	v5 =	vadd.s32 v5, v6  }
0x1e: {  	v2 =	vand.u32 $0x7F, v2;
	v3 =	vor.u32 v3, v5  }
0x1f: {  	s31 =	simm.s32 $0x2000;
	v2 =	vor.u32 v2, v3  }
0x20: {  	[tilespmem:s31+$0x0] =	vst v2  }
0x21: {  	v2 =	vld.idx.msk [tilespmem:v4+s3+$0x0], $0xffff  }
0x22: {  	v4 =	vld.idx.msk [tilespmem:v7+s3+$0x0], $0xffff;
	_ =	sdelay $0x3  }
0x23: {  	s0 =	simm.s32 $0x40  }
0x24: {  	v3 =	vor.u32 s0, v1;
	v5 =	vshll.u32 v4, $0xD;
	v6 =	vshll.u32 v2, $0x3  }
0x25: {  	v7 =	vshll.u32 v4, $0x7;
	v5 =	vand.u32 $0xFFFF0000, v5;
	v6 =	vand.u32 $0xFFFFFC00, v6  }
0x26: {  	v4 =	vor.u32 s0, v0;
	s0 =	simm.s32 $0x60;
	v5 =	vadd.s32 v5, v6;
	v6 =	vand.u32 $0x380, v7  }
.LBB2_3:
0x27: {  	p0 =	sne.s32 s0, $0x1FE0;
	v5 =	vor.u32 v6, v5;
	v2 =	vand.u32 $0x7F, v2  }
0x28: {  	s31 =	sadd.s32 $0x10, s31;
	v2 =	vor.u32 v2, v5  }
0x29: {  	[tilespmem:s31+$0x0] =	vst v2  }
0x2a: {  	v2 =	vld.idx.msk [tilespmem:v3+s3+$0x0], $0xffff  }
0x2b: {  	v4 =	vld.idx.msk [tilespmem:v4+s3+$0x0], $0xffff;
	_ =	sdelay $0x3  }
.Ltmp0:
0x2c: {  	(pc) =	sbr.rel @p0 .LBB2_3-.Ltmp0, $4  }
0x2d: {  	_ = 	snop  }
0x2e: {  	v3 =	vor.u32 s0, v1;
	v6 =	vshll.u32 v2, $0x3;
	v5 =	vshll.u32 v4, $0xD  }
0x2f: {  	v6 =	vand.u32 $0xFFFFFC00, v6;
	v7 =	vshll.u32 v4, $0x7;
	v5 =	vand.u32 $0xFFFF0000, v5  }
0x30: {  	v4 =	vor.u32 s0, v0;
	s0 =	sadd.s32 $0x20, s0;
	v5 =	vadd.s32 v5, v6;
	v6 =	vand.u32 $0x380, v7  }
0x31: {  	_ = 	snop  }
0x32: {  	v5 =	vor.u32 v6, v5;
	v2 =	vand.u32 $0x7F, v2  }
0x33: {  	s0 =	sadd.s32 $0x10, s31;
	v2 =	vor.u32 v2, v5  }
0x34: {  	[tilespmem:s0+$0x0] =	vst v2  }
0x35: {  	v2 =	vld.idx.msk [tilespmem:v3+s3+$0x0], $0xffff  }
0x36: {  	v3 =	vld.idx.msk [tilespmem:v4+s3+$0x0], $0xffff;
	_ =	sdelay $0x4  }
0x37: {  	v4 =	vshll.u32 v3, $0xD;
	v63 =	vshll.u32 v2, $0x3  }
0x38: {  	v3 =	vshll.u32 v3, $0x7;
	v4 =	vand.u32 $0xFFFF0000, v4;
	v5 =	vand.u32 $0xFFFFFC00, v63  }
0x39: {  	v3 =	vand.u32 $0x380, v3;
	v4 =	vadd.s32 v4, v5  }
0x3a: {  	v2 =	vand.u32 $0x7F, v2;
	v3 =	vor.u32 v3, v4  }
0x3b: {  	s0 =	sadd.s32 $0x10, s0;
	v2 =	vor.u32 v2, v3  }
0x3c: {  	[tilespmem:s0+$0x0] =	vst v2  }
0x3d: {  	[tilespmem:s11], [sflag:$0x1] =	stream.indirect.gather [hbm4b:s1+s9], $0x1, s10, s9, $0xb8;
	[tilespmem:$0x4000] =	vst v63  }
0x3e: {  	_ = 	snop  }
0x3f: {  	[tilespmem:s13], [sflag:$0x1] =	stream.indirect.gather [hbm4b:s1+s9], $0x1, s12, s9, $0xb8;
	[tilespmem:$0x4000] =	vst v63  }
0x40: {  	_ = 	snop  }
0x41: {  	[tilespmem:s15], [sflag:$0x1] =	stream.indirect.gather [hbm4b:s1+s9], $0x1, s14, s9, $0xb8;
	[tilespmem:$0x4000] =	vst v63  }
0x42: {  	_ = 	snop  }
0x43: {  	[tilespmem:s17], [sflag:$0x1] =	stream.indirect.gather [hbm4b:s1+s9], $0x1, s16, s9, $0xb8;
	[tilespmem:$0x4000] =	vst v63  }
0x44: {  	_ = 	snop  }
0x45: {  	[tilespmem:s19], [sflag:$0x1] =	stream.indirect.gather [hbm4b:s1+s9], $0x1, s18, s9, $0xb8;
	[tilespmem:$0x4000] =	vst v63  }
0x46: {  	_ = 	snop  }
0x47: {  	[tilespmem:s21], [sflag:$0x1] =	stream.indirect.gather [hbm4b:s1+s9], $0x1, s20, s9, $0xb8;
	[tilespmem:$0x4000] =	vst v63  }
0x48: {  	_ = 	snop  }
0x49: {  	[tilespmem:s23], [sflag:$0x1] =	stream.indirect.gather [hbm4b:s1+s9], $0x1, s22, s9, $0xb8;
	[tilespmem:$0x4000] =	vst v63  }
0x4a: {  	_ = 	snop  }
0x4b: {  	[tilespmem:s25], [sflag:$0x1] =	stream.indirect.gather [hbm4b:s1+s9], $0x1, s24, s9, $0xb8;
	[tilespmem:$0x4000] =	vst v63  }
0x4c: {  	s29 =	sadd.s32 $0x1, s29;
	_ =	swait.ge [sflag:s26], $0x1000  }
0x4d: {  	s31 =	sshrl.u32 s30, $0x3;
	p0 =	sne.s32 s29, $0x8;
	[sflag:s26] =	ssyncset.done $0x0  }
.Ltmp1:
0x4e: {  	s0 =	sadd.s32 s2, s31;
	[sflag:s26] =	ssyncadd.s32 $0xFFFFF000;
	(pc) =	sbr.rel @p0 .LBB2_2-.Ltmp1, $4  }
0x4f: {  	[hbm4b:s0+s3] =	stream.linear.scatter [tilespmem:s11], [sflag:$0x2], $0x1000, $0x38;
	[tilespmem:$0x4000] =	vst v63  }
0x50: {  	_ =	swait.ge [sflag:s8], $0x1000  }
0x51: {  	[sflag:s8] =	ssyncset.done $0x0  }
0x52: {  	[sflag:s8] =	ssyncadd.s32 $0xFFFFF000  }
0x53: {  	s28 =	sadd.s32 $0x1, s28  }
0x54: {  	p0 =	sne.s32 s28, s7  }
.Ltmp2:
0x55: {  	_ = 	snop;
	(pc) =	sbr.rel @p0 .LBB2_1-.Ltmp2, $1  }
0x56: {  	_ =	sdelay $0x3  }
0x57: {  	_ =	sfence.sel $0x180000  }
0x58: {  	[bflag:$0x0] =	sbarrier.arrive $0xFFFF  }
0x59: {  	_ =	strace $0x90000047  }
0x5a: {  	[bflag:$0x2] =	sbarrier.arrive $0xFFFF  }
0x5b: {  	p0 =	sne.s32 s4, $0x0;
	s0 =	rddreg [dreg:$0x3]  }
0x5c: {  	s0 =	sadd.s32 @!p0 $0x100000, s0  }
0x5d: {  	[sflag:s0] =	ssyncadd.tile.s32 @!p0 $0x1;
	_ =	shalt  }
.Lfunc_end2:
_tile_overlayer_lowered:
.L_overlay_start_2:
0x5e: {  	(tag) =	ssettag $0x2  }
0x5f: {  	s0 =	rddreg [dreg:$0x0];
	s2 =	stileid.u32  }
0x60: {  	s1 =	rddreg [dreg:$0x1];
	p0 =	sne.s32 s2, $0x0  }
0x61: {  	s3 =	rddreg [dreg:$0x2];
	[bflag:$0x3] =	sbarrier.arrive $0xFFFF;
	s2 =	simm.s32 @!p0 $0x1C02  }
0x62: {  	[timem:s3], [sflag:s2] =	dma.local @!p0 [hbm:s0], s1  }
0x63: {  	s0 =	simm.s32 @!p0 $0x2  }
0x64: {  	_ =	swait.ge @!p0 [sflag:s0], s1  }
0x65: {  	s1 =	ssub.s32 @!p0 $0x0, s1;
	[sflag:s0] =	ssyncset.done @!p0 $0x0  }
0x66: {  	[sflag:s0] =	ssyncadd.s32 @!p0 s1  }
0x67: {  	[bflag:$0x3] =	sbarrier.arrive $0xFFFF  }
0x68: {  	_ =	shalt  }

</sc_bundles>
